<compile_context>
chip_gen: v7x
topology: tpu7x:2x2x1
jax: 0.10.2.dev20260603
libtpu: 0.0.44.dev20260713+nightly
codegen_flags: <defaults>
</compile_context>

<pallas_src>
import jax
import jax.numpy as jnp
from jax import lax
from jax.experimental import pallas as pl
from jax.experimental.pallas import tpu as pltpu
from jax.experimental.pallas import tpu_sc as plsc

_R, _C = 4096, 2048
_N = _R * _C
_KEEP = 5872025
_NB = 32
_BR = _R // _NB
_POS_WEIGHT = 100.0

_NW = 32
_ROWS_W = _R // _NW
_CR = 16
_NCHUNK = _ROWS_W // _CR
_VPC = _CR * _C // 16
_UNROLL = 4
_BINS = 16384
_SHIFT = 17


def _bce_body(pred_ref, target_ref, out_ref):
    x = pred_ref[...]
    tg = target_ref[...]
    l = jnp.log1p(jnp.exp(-jnp.abs(x)))
    sp_pos = l + jnp.maximum(x, 0.0)
    out_ref[...] = _POS_WEIGHT * tg * (sp_pos - x) + (1.0 - tg) * sp_pos


def _sc_hist_body(bce_hbm, cnt_hbm, sum_hbm, buf, hc0, hs0, hc1, hs1):
    wid = lax.axis_index("s") * 2 + lax.axis_index("c")
    zeros = jnp.zeros((16,), jnp.float32)
    ones = jnp.ones((16,), jnp.float32)

    def zbody(i, carry):
        hc0[pl.ds(i * 16, 16)] = zeros
        hs0[pl.ds(i * 16, 16)] = zeros
        hc1[pl.ds(i * 16, 16)] = zeros
        hs1[pl.ds(i * 16, 16)] = zeros
        return carry

    lax.fori_loop(0, _BINS // 16, zbody, 0)

    row0 = wid * _ROWS_W

    def chunk_body(c, carry):
        pltpu.sync_copy(bce_hbm.at[pl.ds(row0 + c * _CR, _CR), :], buf)

        def vec_body(i, inner):
            for u in range(_UNROLL):
                off = (i * _UNROLL + u) * 16
                r = off // _C
                v = buf[r, pl.ds(off % _C, 16)]
                b = lax.shift_right_logical(plsc.bitcast(v, jnp.int32),
                                            _SHIFT)
                if u % 2 == 0:
                    plsc.addupdate_scatter(hc0, [b], ones)
                    plsc.addupdate_scatter(hs0, [b], v)
                else:
                    plsc.addupdate_scatter(hc1, [b], ones)
                    plsc.addupdate_scatter(hs1, [b], v)
            return inner

        lax.fori_loop(0, _VPC // _UNROLL, vec_body, 0)
        return carry

    lax.fori_loop(0, _NCHUNK, chunk_body, 0)

    def merge(i, carry):
        s = pl.ds(i * 16, 16)
        hc0[s] = hc0[s] + hc1[s]
        hs0[s] = hs0[s] + hs1[s]
        return carry

    lax.fori_loop(0, _BINS // 16, merge, 0)
    pltpu.sync_copy(hc0, cnt_hbm.at[wid])
    pltpu.sync_copy(hs0, sum_hbm.at[wid])


def _finalize_body(cnt_ref, sum_ref, out_ref):
    cg = jnp.sum(cnt_ref[...], axis=0, keepdims=True)
    sg = jnp.sum(sum_ref[...], axis=0, keepdims=True)
    bin_idx = lax.broadcasted_iota(jnp.int32, (1, _BINS), 1)
    k = jnp.float32(_KEEP)

    def step(i, b):
        cand = b | jnp.left_shift(jnp.int32(1), 13 - i)
        n_ge = jnp.sum(jnp.where(bin_idx >= cand, cg, 0.0))
        return jnp.where(n_ge >= k, cand, b)

    B = lax.fori_loop(0, 14, step, jnp.int32(0))

    m_hi = bin_idx > B
    s_hi = jnp.sum(jnp.where(m_hi, sg, 0.0))
    n_hi = jnp.sum(jnp.where(m_hi, cg, 0.0))
    m_b = bin_idx == B
    cnt_b = jnp.sum(jnp.where(m_b, cg, 0.0))
    sum_b = jnp.sum(jnp.where(m_b, sg, 0.0))

    lo = lax.bitcast_convert_type(jnp.left_shift(B, _SHIFT), jnp.float32)
    hi = lax.bitcast_convert_type(jnp.left_shift(B + 1, _SHIFT), jnp.float32)
    m = k - n_hi
    den = jnp.maximum(cnt_b, 1.0)
    mu = sum_b / den
    est = jnp.clip(mu + (cnt_b - m) * (hi - lo) / (2.0 * den), lo, hi)
    out_ref[0, 0] = (s_hi + m * est) / k


def kernel(pred, target):
    bce = pl.pallas_call(
        _bce_body,
        grid=(_NB,),
        in_specs=[
            pl.BlockSpec((_BR, _C), lambda j: (j, 0)),
            pl.BlockSpec((_BR, _C), lambda j: (j, 0)),
        ],
        out_specs=pl.BlockSpec((_BR, _C), lambda j: (j, 0)),
        out_shape=jax.ShapeDtypeStruct((_R, _C), jnp.float32),
    )(pred, target)

    mesh = plsc.VectorSubcoreMesh(
        core_axis_name="c", subcore_axis_name="s", num_cores=2,
        num_subcores=16)
    sc_hist = pl.kernel(
        _sc_hist_body,
        out_type=[
            jax.ShapeDtypeStruct((_NW, _BINS), jnp.float32),
            jax.ShapeDtypeStruct((_NW, _BINS), jnp.float32),
        ],
        mesh=mesh,
        scratch_types=[
            pltpu.VMEM((_CR, _C), jnp.float32),
            pltpu.VMEM((_BINS,), jnp.float32),
            pltpu.VMEM((_BINS,), jnp.float32),
            pltpu.VMEM((_BINS,), jnp.float32),
            pltpu.VMEM((_BINS,), jnp.float32),
        ],
        compiler_params=pltpu.CompilerParams(needs_layout_passes=False),
    )
    cnt, sm = sc_hist(bce)

    out = pl.pallas_call(
        _finalize_body,
        out_specs=pl.BlockSpec(memory_space=pltpu.SMEM),
        out_shape=jax.ShapeDtypeStruct((1, 1), jnp.float32),
    )(cnt, sm)
    return out[0, 0]

# --- scband reference (transcript-rebuilt; emitter-appended) ---
"""Pipeline reference for scband-ohembceloss-36017595744344 (READ-ONLY COPY).

The authoritative reference and input builder live on the scoring server;
editing this copy changes nothing except your own understanding.
"""

import jax, jax.numpy as jnp
import numpy as np

KEEP_RATIO = 0.7
POS_WEIGHT = 100.0

def setup_inputs(seed: int = 0) -> dict:
    key = jax.random.key(seed)
    k1, k2 = jax.random.split(key)
    pred = jax.random.normal(k1, (4096, 2048), dtype=jnp.float32)
    # targets in [0,1); BCE-with-logits is well-defined for soft targets
    target = jax.random.uniform(k2, (4096, 2048), dtype=jnp.float32)
    return {"pred": pred, "target": target}

def reference(pred, target):
    # F.binary_cross_entropy_with_logits with pos_weight, reduction='none':
    # loss = pos_weight * target * softplus(-x) + (1 - target) * softplus(x)
    pos_weight = jnp.asarray([POS_WEIGHT], dtype=pred.dtype)
    bce = pos_weight * target * jax.nn.softplus(-pred) + (1.0 - target) * jax.nn.softplus(pred)
    num_keep = max(1, int(bce.size * KEEP_RATIO))
    top_loss, _ = jax.lax.top_k(bce.reshape(-1), num_keep)
    return jnp.mean(top_loss)

if __name__ == "__main__":
    import jax
    _d = setup_inputs()
    print(jax.jit(kernel)(*tuple(_d.values())))

</pallas_src>

<mosaic_0001>
#map = affine_map<(d0, d1) -> (0, 0)>
module attributes {stable_mosaic.version = 14 : i64} {
  func.func @_sc_hist_body(%arg0: i32, %arg1: i32, %arg2: memref<4096x2048xf32, #tpu.memory_space<hbm>>, %arg3: memref<32x16384xf32, #tpu.memory_space<hbm>>, %arg4: memref<32x16384xf32, #tpu.memory_space<hbm>>, %arg5: memref<16x2048xf32, #tpu.memory_space<vmem>>, %arg6: memref<16384xf32, #tpu.memory_space<vmem>>, %arg7: memref<16384xf32, #tpu.memory_space<vmem>>, %arg8: memref<16384xf32, #tpu.memory_space<vmem>>, %arg9: memref<16384xf32, #tpu.memory_space<vmem>>) attributes {dimension_semantics = [#tpu.dimension_semantics<core_parallel>, #tpu.dimension_semantics<subcore_parallel>], iteration_bounds = array<i64: 2, 16>, scalar_prefetch = 0 : i64, scratch_operands = 5 : i64, tpu.core_type = #tpu.core_type<sc_vector_subcore>, window_params = [{transform_indices = #map}, {transform_indices = #map}, {transform_indices = #map}]} {
    %mul3A = arith.constant 2 : i32
    %mul3A_0 = arith.muli %arg1, %mul3A : i32
    %add3A = arith.addi %mul3A_0, %arg0 : i32
    %broadcast_in_dim3A = arith.constant 0.000000e+00 : f32
    %broadcast_in_dim3A_1 = vector.broadcast %broadcast_in_dim3A : f32 to vector<16xf32>
    %broadcast_in_dim3A_2 = arith.constant 1.000000e+00 : f32
    %broadcast_in_dim3A_3 = vector.broadcast %broadcast_in_dim3A_2 : f32 to vector<16xf32>
    %scan3A = arith.constant 0 : i32
    %scan3A_4 = arith.constant 0 : i32
    %scan3A_5 = arith.constant 1024 : i32
    %scan3A_6 = arith.addi %scan3A_4, %scan3A_5 : i32
    %scan3A_7 = arith.constant 1 : i32
    scf.for %scan3A_23 = %scan3A_4 to %scan3A_6 step %scan3A_7  : i32 {
      %mul3A_24 = arith.constant 16 : i32
      %mul3A_25 = arith.muli %scan3A_23, %mul3A_24 : i32
      %swap3A = arith.index_cast %mul3A_25 : i32 to index
      %swap3A_26 = tpu.vector_load %arg6[%swap3A] {strides = array<i32>} : memref<16384xf32, #tpu.memory_space<vmem>>, vector<16xf32>,
      tpu.vector_store %arg6[%swap3A], %broadcast_in_dim3A_1 {strides = array<i32>} : memref<16384xf32, #tpu.memory_space<vmem>>, vector<16xf32>,
      %mul3A_27 = arith.constant 16 : i32
      %mul3A_28 = arith.muli %scan3A_23, %mul3A_27 : i32
      %swap3A_29 = arith.index_cast %mul3A_28 : i32 to index
      %swap3A_30 = tpu.vector_load %arg7[%swap3A_29] {strides = array<i32>} : memref<16384xf32, #tpu.memory_space<vmem>>, vector<16xf32>,
      tpu.vector_store %arg7[%swap3A_29], %broadcast_in_dim3A_1 {strides = array<i32>} : memref<16384xf32, #tpu.memory_space<vmem>>, vector<16xf32>,
      %mul3A_31 = arith.constant 16 : i32
      %mul3A_32 = arith.muli %scan3A_23, %mul3A_31 : i32
      %swap3A_33 = arith.index_cast %mul3A_32 : i32 to index
      %swap3A_34 = tpu.vector_load %arg8[%swap3A_33] {strides = array<i32>} : memref<16384xf32, #tpu.memory_space<vmem>>, vector<16xf32>,
      tpu.vector_store %arg8[%swap3A_33], %broadcast_in_dim3A_1 {strides = array<i32>} : memref<16384xf32, #tpu.memory_space<vmem>>, vector<16xf32>,
      %mul3A_35 = arith.constant 16 : i32
      %mul3A_36 = arith.muli %scan3A_23, %mul3A_35 : i32
      %swap3A_37 = arith.index_cast %mul3A_36 : i32 to index
      %swap3A_38 = tpu.vector_load %arg9[%swap3A_37] {strides = array<i32>} : memref<16384xf32, #tpu.memory_space<vmem>>, vector<16xf32>,
      tpu.vector_store %arg9[%swap3A_37], %broadcast_in_dim3A_1 {strides = array<i32>} : memref<16384xf32, #tpu.memory_space<vmem>>, vector<16xf32>,
    }
    %scan3A_8 = arith.constant 1024 : i32
    %mul3A_9 = arith.constant 128 : i32
    %mul3A_10 = arith.muli %add3A, %mul3A_9 : i32
    %scan3A_11 = arith.constant 0 : i32
    %scan3A_12 = arith.constant 0 : i32
    %scan3A_13 = arith.constant 8 : i32
    %scan3A_14 = arith.addi %scan3A_12, %scan3A_13 : i32
    %scan3A_15 = arith.constant 1 : i32
    scf.for %scan3A_23 = %scan3A_12 to %scan3A_14 step %scan3A_15  : i32 {
      %mul3A_24 = arith.constant 16 : i32
      %mul3A_25 = arith.muli %scan3A_23, %mul3A_24 : i32
      %add3A_26 = arith.addi %mul3A_10, %mul3A_25 : i32
      "tpu.region"() ({
        %run_scoped3A = tpu.sem_alloc : memref<!tpu.dma_semaphore, #tpu.memory_space<semaphore_mem>>
        %dma_start3A = arith.constant 0 : i32
        %dma_start3A_33 = tpu.memref_slice %arg2[%add3A_26, %dma_start3A] : memref<4096x2048xf32, #tpu.memory_space<hbm>> -> memref<16x2048xf32, #tpu.memory_space<hbm>>
        %dma_start3A_34 = arith.constant 0 : i32
        %dma_start3A_35 = tpu.memref_slice %arg2[%add3A_26, %dma_start3A_34] : memref<4096x2048xf32, #tpu.memory_space<hbm>> -> memref<16x2048xf32, #tpu.memory_space<hbm>>
        tpu.enqueue_dma source(%dma_start3A_35 : memref<16x2048xf32, #tpu.memory_space<hbm>>) target(%arg5 : memref<16x2048xf32, #tpu.memory_space<vmem>>) target_semaphore(%run_scoped3A : memref<!tpu.dma_semaphore, #tpu.memory_space<semaphore_mem>>)
        %dma_wait3A = arith.constant 0 : i32
        %dma_wait3A_36 = tpu.memref_slice %arg2[%add3A_26, %dma_wait3A] : memref<4096x2048xf32, #tpu.memory_space<hbm>> -> memref<16x2048xf32, #tpu.memory_space<hbm>>
        %dma_wait3A_37 = arith.constant 0 : i32
        %dma_wait3A_38 = tpu.memref_slice %arg2[%add3A_26, %dma_wait3A_37] : memref<4096x2048xf32, #tpu.memory_space<hbm>> -> memref<16x2048xf32, #tpu.memory_space<hbm>>
        tpu.wait_dma2 semaphore(%run_scoped3A : memref<!tpu.dma_semaphore, #tpu.memory_space<semaphore_mem>>) src(%dma_wait3A_38 : memref<16x2048xf32, #tpu.memory_space<hbm>>) dst(%arg5 : memref<16x2048xf32, #tpu.memory_space<vmem>>)
        tpu.yield
      }) : () -> ()
      %scan3A_27 = arith.constant 0 : i32
      %scan3A_28 = arith.constant 0 : i32
      %scan3A_29 = arith.constant 512 : i32
      %scan3A_30 = arith.addi %scan3A_28, %scan3A_29 : i32
      %scan3A_31 = arith.constant 1 : i32
      scf.for %scan3A_33 = %scan3A_28 to %scan3A_30 step %scan3A_31  : i32 {
        %mul3A_34 = arith.constant 4 : i32
        %mul3A_35 = arith.muli %scan3A_33, %mul3A_34 : i32
        %add3A_36 = arith.constant 0 : i32
        %add3A_37 = arith.addi %mul3A_35, %add3A_36 : i32
        %mul3A_38 = arith.constant 16 : i32
        %mul3A_39 = arith.muli %add3A_37, %mul3A_38 : i32
        %jit3A = arith.constant 2048 : i32
        %div3A = arith.divsi %mul3A_39, %jit3A : i32
        %sign3A = arith.constant 0 : i32
        %sign3A_40 = arith.cmpi sgt, %mul3A_39, %sign3A : i32
        %sign3A_41 = arith.extui %sign3A_40 : i1 to i32
        %sign3A_42 = arith.constant 0 : i32
        %sign3A_43 = arith.cmpi slt, %mul3A_39, %sign3A_42 : i32
        %sign3A_44 = arith.extui %sign3A_43 : i1 to i32
        %sign3A_45 = arith.subi %sign3A_41, %sign3A_44 : i32
        %sign3A_46 = arith.constant 0 : i32
        %sign3A_47 = arith.cmpi sgt, %jit3A, %sign3A_46 : i32
        %sign3A_48 = arith.extui %sign3A_47 : i1 to i32
        %sign3A_49 = arith.constant 0 : i32
        %sign3A_50 = arith.cmpi slt, %jit3A, %sign3A_49 : i32
        %sign3A_51 = arith.extui %sign3A_50 : i1 to i32
        %sign3A_52 = arith.subi %sign3A_48, %sign3A_51 : i32
        %ne3A = arith.cmpi ne, %sign3A_45, %sign3A_52 : i32
        %rem3A = arith.remsi %mul3A_39, %jit3A : i32
        %ne3A_53 = arith.constant 0 : i32
        %ne3A_54 = arith.cmpi ne, %rem3A, %ne3A_53 : i32
        %and3A = arith.andi %ne3A, %ne3A_54 : i1
        %sub3A = arith.constant 1 : i32
        %sub3A_55 = arith.subi %div3A, %sub3A : i32
        %select_n3A = arith.select %and3A, %sub3A_55, %div3A : i32
        %jit3A_56 = arith.constant 2048 : i32
        %eq3A = arith.constant 0 : i32
        %eq3A_57 = arith.cmpi eq, %jit3A_56, %eq3A : i32
        %jit3A_58 = arith.constant 1 : i32
        %select_n3A_59 = arith.select %eq3A_57, %jit3A_58, %jit3A_56 : i32
        %rem3A_60 = arith.remsi %mul3A_39, %select_n3A_59 : i32
        %ne3A_61 = arith.constant 0 : i32
        %ne3A_62 = arith.cmpi ne, %rem3A_60, %ne3A_61 : i32
        %lt3A = arith.constant 0 : i32
        %lt3A_63 = arith.cmpi slt, %rem3A_60, %lt3A : i32
        %lt3A_64 = arith.constant 0 : i32
        %lt3A_65 = arith.cmpi slt, %select_n3A_59, %lt3A_64 : i32
        %ne3A_66 = arith.xori %lt3A_63, %lt3A_65 : i1
        %and3A_67 = arith.andi %ne3A_66, %ne3A_62 : i1
        %add3A_68 = arith.addi %rem3A_60, %select_n3A_59 : i32
        %select_n3A_69 = arith.select %and3A_67, %add3A_68, %rem3A_60 : i32
        %get3A = arith.index_cast %select_n3A : i32 to index
        %get3A_70 = arith.index_cast %select_n3A_69 : i32 to index
        %get3A_71 = tpu.vector_load %arg5[%get3A, %get3A_70] {strides = array<i32>} : memref<16x2048xf32, #tpu.memory_space<vmem>>, vector<16xf32>,
        %bitcast3A = vector.bitcast %get3A_71 : vector<16xf32> to vector<16xi32>
        %shift_right_logical3A = arith.constant 17 : i32
        %shift_right_logical3A_72 = vector.broadcast %shift_right_logical3A : i32 to vector<16xi32>
        %shift_right_logical3A_73 = arith.shrui %bitcast3A, %shift_right_logical3A_72 : vector<16xi32>
        tpu.vector_store_idx %arg6[%shift_right_logical3A_73], %broadcast_in_dim3A_3 {add = true} : memref<16384xf32, #tpu.memory_space<vmem>>[vector<16xi32>], vector<16xf32>,
        tpu.vector_store_idx %arg7[%shift_right_logical3A_73], %get3A_71 {add = true} : memref<16384xf32, #tpu.memory_space<vmem>>[vector<16xi32>], vector<16xf32>,
        %mul3A_74 = arith.constant 4 : i32
        %mul3A_75 = arith.muli %scan3A_33, %mul3A_74 : i32
        %add3A_76 = arith.constant 1 : i32
        %add3A_77 = arith.addi %mul3A_75, %add3A_76 : i32
        %mul3A_78 = arith.constant 16 : i32
        %mul3A_79 = arith.muli %add3A_77, %mul3A_78 : i32
        %jit3A_80 = arith.constant 2048 : i32
        %div3A_81 = arith.divsi %mul3A_79, %jit3A_80 : i32
        %sign3A_82 = arith.constant 0 : i32
        %sign3A_83 = arith.cmpi sgt, %mul3A_79, %sign3A_82 : i32
        %sign3A_84 = arith.extui %sign3A_83 : i1 to i32
        %sign3A_85 = arith.constant 0 : i32
        %sign3A_86 = arith.cmpi slt, %mul3A_79, %sign3A_85 : i32
        %sign3A_87 = arith.extui %sign3A_86 : i1 to i32
        %sign3A_88 = arith.subi %sign3A_84, %sign3A_87 : i32
        %sign3A_89 = arith.constant 0 : i32
        %sign3A_90 = arith.cmpi sgt, %jit3A_80, %sign3A_89 : i32
        %sign3A_91 = arith.extui %sign3A_90 : i1 to i32
        %sign3A_92 = arith.constant 0 : i32
        %sign3A_93 = arith.cmpi slt, %jit3A_80, %sign3A_92 : i32
        %sign3A_94 = arith.extui %sign3A_93 : i1 to i32
        %sign3A_95 = arith.subi %sign3A_91, %sign3A_94 : i32
        %ne3A_96 = arith.cmpi ne, %sign3A_88, %sign3A_95 : i32
        %rem3A_97 = arith.remsi %mul3A_79, %jit3A_80 : i32
        %ne3A_98 = arith.constant 0 : i32
        %ne3A_99 = arith.cmpi ne, %rem3A_97, %ne3A_98 : i32
        %and3A_100 = arith.andi %ne3A_96, %ne3A_99 : i1
        %sub3A_101 = arith.constant 1 : i32
        %sub3A_102 = arith.subi %div3A_81, %sub3A_101 : i32
        %select_n3A_103 = arith.select %and3A_100, %sub3A_102, %div3A_81 : i32
        %jit3A_104 = arith.constant 2048 : i32
        %eq3A_105 = arith.constant 0 : i32
        %eq3A_106 = arith.cmpi eq, %jit3A_104, %eq3A_105 : i32
        %jit3A_107 = arith.constant 1 : i32
        %select_n3A_108 = arith.select %eq3A_106, %jit3A_107, %jit3A_104 : i32
        %rem3A_109 = arith.remsi %mul3A_79, %select_n3A_108 : i32
        %ne3A_110 = arith.constant 0 : i32
        %ne3A_111 = arith.cmpi ne, %rem3A_109, %ne3A_110 : i32
        %lt3A_112 = arith.constant 0 : i32
        %lt3A_113 = arith.cmpi slt, %rem3A_109, %lt3A_112 : i32
        %lt3A_114 = arith.constant 0 : i32
        %lt3A_115 = arith.cmpi slt, %select_n3A_108, %lt3A_114 : i32
        %ne3A_116 = arith.xori %lt3A_113, %lt3A_115 : i1
        %and3A_117 = arith.andi %ne3A_116, %ne3A_111 : i1
        %add3A_118 = arith.addi %rem3A_109, %select_n3A_108 : i32
        %select_n3A_119 = arith.select %and3A_117, %add3A_118, %rem3A_109 : i32
        %get3A_120 = arith.index_cast %select_n3A_103 : i32 to index
        %get3A_121 = arith.index_cast %select_n3A_119 : i32 to index
        %get3A_122 = tpu.vector_load %arg5[%get3A_120, %get3A_121] {strides = array<i32>} : memref<16x2048xf32, #tpu.memory_space<vmem>>, vector<16xf32>,
        %bitcast3A_123 = vector.bitcast %get3A_122 : vector<16xf32> to vector<16xi32>
        %shift_right_logical3A_124 = arith.constant 17 : i32
        %shift_right_logical3A_125 = vector.broadcast %shift_right_logical3A_124 : i32 to vector<16xi32>
        %shift_right_logical3A_126 = arith.shrui %bitcast3A_123, %shift_right_logical3A_125 : vector<16xi32>
        tpu.vector_store_idx %arg8[%shift_right_logical3A_126], %broadcast_in_dim3A_3 {add = true} : memref<16384xf32, #tpu.memory_space<vmem>>[vector<16xi32>], vector<16xf32>,
        tpu.vector_store_idx %arg9[%shift_right_logical3A_126], %get3A_122 {add = true} : memref<16384xf32, #tpu.memory_space<vmem>>[vector<16xi32>], vector<16xf32>,
        %mul3A_127 = arith.constant 4 : i32
        %mul3A_128 = arith.muli %scan3A_33, %mul3A_127 : i32
        %add3A_129 = arith.constant 2 : i32
        %add3A_130 = arith.addi %mul3A_128, %add3A_129 : i32
        %mul3A_131 = arith.constant 16 : i32
        %mul3A_132 = arith.muli %add3A_130, %mul3A_131 : i32
        %jit3A_133 = arith.constant 2048 : i32
        %div3A_134 = arith.divsi %mul3A_132, %jit3A_133 : i32
        %sign3A_135 = arith.constant 0 : i32
        %sign3A_136 = arith.cmpi sgt, %mul3A_132, %sign3A_135 : i32
        %sign3A_137 = arith.extui %sign3A_136 : i1 to i32
        %sign3A_138 = arith.constant 0 : i32
        %sign3A_139 = arith.cmpi slt, %mul3A_132, %sign3A_138 : i32
        %sign3A_140 = arith.extui %sign3A_139 : i1 to i32
        %sign3A_141 = arith.subi %sign3A_137, %sign3A_140 : i32
        %sign3A_142 = arith.constant 0 : i32
        %sign3A_143 = arith.cmpi sgt, %jit3A_133, %sign3A_142 : i32
        %sign3A_144 = arith.extui %sign3A_143 : i1 to i32
        %sign3A_145 = arith.constant 0 : i32
        %sign3A_146 = arith.cmpi slt, %jit3A_133, %sign3A_145 : i32
        %sign3A_147 = arith.extui %sign3A_146 : i1 to i32
        %sign3A_148 = arith.subi %sign3A_144, %sign3A_147 : i32
        %ne3A_149 = arith.cmpi ne, %sign3A_141, %sign3A_148 : i32
        %rem3A_150 = arith.remsi %mul3A_132, %jit3A_133 : i32
        %ne3A_151 = arith.constant 0 : i32
        %ne3A_152 = arith.cmpi ne, %rem3A_150, %ne3A_151 : i32
        %and3A_153 = arith.andi %ne3A_149, %ne3A_152 : i1
        %sub3A_154 = arith.constant 1 : i32
        %sub3A_155 = arith.subi %div3A_134, %sub3A_154 : i32
        %select_n3A_156 = arith.select %and3A_153, %sub3A_155, %div3A_134 : i32
        %jit3A_157 = arith.constant 2048 : i32
        %eq3A_158 = arith.constant 0 : i32
        %eq3A_159 = arith.cmpi eq, %jit3A_157, %eq3A_158 : i32
        %jit3A_160 = arith.constant 1 : i32
        %select_n3A_161 = arith.select %eq3A_159, %jit3A_160, %jit3A_157 : i32
        %rem3A_162 = arith.remsi %mul3A_132, %select_n3A_161 : i32
        %ne3A_163 = arith.constant 0 : i32
        %ne3A_164 = arith.cmpi ne, %rem3A_162, %ne3A_163 : i32
        %lt3A_165 = arith.constant 0 : i32
        %lt3A_166 = arith.cmpi slt, %rem3A_162, %lt3A_165 : i32
        %lt3A_167 = arith.constant 0 : i32
        %lt3A_168 = arith.cmpi slt, %select_n3A_161, %lt3A_167 : i32
        %ne3A_169 = arith.xori %lt3A_166, %lt3A_168 : i1
        %and3A_170 = arith.andi %ne3A_169, %ne3A_164 : i1
        %add3A_171 = arith.addi %rem3A_162, %select_n3A_161 : i32
        %select_n3A_172 = arith.select %and3A_170, %add3A_171, %rem3A_162 : i32
        %get3A_173 = arith.index_cast %select_n3A_156 : i32 to index
        %get3A_174 = arith.index_cast %select_n3A_172 : i32 to index
        %get3A_175 = tpu.vector_load %arg5[%get3A_173, %get3A_174] {strides = array<i32>} : memref<16x2048xf32, #tpu.memory_space<vmem>>, vector<16xf32>,
        %bitcast3A_176 = vector.bitcast %get3A_175 : vector<16xf32> to vector<16xi32>
        %shift_right_logical3A_177 = arith.constant 17 : i32
        %shift_right_logical3A_178 = vector.broadcast %shift_right_logical3A_177 : i32 to vector<16xi32>
        %shift_right_logical3A_179 = arith.shrui %bitcast3A_176, %shift_right_logical3A_178 : vector<16xi32>
        tpu.vector_store_idx %arg6[%shift_right_logical3A_179], %broadcast_in_dim3A_3 {add = true} : memref<16384xf32, #tpu.memory_space<vmem>>[vector<16xi32>], vector<16xf32>,
        tpu.vector_store_idx %arg7[%shift_right_logical3A_179], %get3A_175 {add = true} : memref<16384xf32, #tpu.memory_space<vmem>>[vector<16xi32>], vector<16xf32>,
        %mul3A_180 = arith.constant 4 : i32
        %mul3A_181 = arith.muli %scan3A_33, %mul3A_180 : i32
        %add3A_182 = arith.constant 3 : i32
        %add3A_183 = arith.addi %mul3A_181, %add3A_182 : i32
        %mul3A_184 = arith.constant 16 : i32
        %mul3A_185 = arith.muli %add3A_183, %mul3A_184 : i32
        %jit3A_186 = arith.constant 2048 : i32
        %div3A_187 = arith.divsi %mul3A_185, %jit3A_186 : i32
        %sign3A_188 = arith.constant 0 : i32
        %sign3A_189 = arith.cmpi sgt, %mul3A_185, %sign3A_188 : i32
        %sign3A_190 = arith.extui %sign3A_189 : i1 to i32
        %sign3A_191 = arith.constant 0 : i32
        %sign3A_192 = arith.cmpi slt, %mul3A_185, %sign3A_191 : i32
        %sign3A_193 = arith.extui %sign3A_192 : i1 to i32
        %sign3A_194 = arith.subi %sign3A_190, %sign3A_193 : i32
        %sign3A_195 = arith.constant 0 : i32
        %sign3A_196 = arith.cmpi sgt, %jit3A_186, %sign3A_195 : i32
        %sign3A_197 = arith.extui %sign3A_196 : i1 to i32
        %sign3A_198 = arith.constant 0 : i32
        %sign3A_199 = arith.cmpi slt, %jit3A_186, %sign3A_198 : i32
        %sign3A_200 = arith.extui %sign3A_199 : i1 to i32
        %sign3A_201 = arith.subi %sign3A_197, %sign3A_200 : i32
        %ne3A_202 = arith.cmpi ne, %sign3A_194, %sign3A_201 : i32
        %rem3A_203 = arith.remsi %mul3A_185, %jit3A_186 : i32
        %ne3A_204 = arith.constant 0 : i32
        %ne3A_205 = arith.cmpi ne, %rem3A_203, %ne3A_204 : i32
        %and3A_206 = arith.andi %ne3A_202, %ne3A_205 : i1
        %sub3A_207 = arith.constant 1 : i32
        %sub3A_208 = arith.subi %div3A_187, %sub3A_207 : i32
        %select_n3A_209 = arith.select %and3A_206, %sub3A_208, %div3A_187 : i32
        %jit3A_210 = arith.constant 2048 : i32
        %eq3A_211 = arith.constant 0 : i32
        %eq3A_212 = arith.cmpi eq, %jit3A_210, %eq3A_211 : i32
        %jit3A_213 = arith.constant 1 : i32
        %select_n3A_214 = arith.select %eq3A_212, %jit3A_213, %jit3A_210 : i32
        %rem3A_215 = arith.remsi %mul3A_185, %select_n3A_214 : i32
        %ne3A_216 = arith.constant 0 : i32
        %ne3A_217 = arith.cmpi ne, %rem3A_215, %ne3A_216 : i32
        %lt3A_218 = arith.constant 0 : i32
        %lt3A_219 = arith.cmpi slt, %rem3A_215, %lt3A_218 : i32
        %lt3A_220 = arith.constant 0 : i32
        %lt3A_221 = arith.cmpi slt, %select_n3A_214, %lt3A_220 : i32
        %ne3A_222 = arith.xori %lt3A_219, %lt3A_221 : i1
        %and3A_223 = arith.andi %ne3A_222, %ne3A_217 : i1
        %add3A_224 = arith.addi %rem3A_215, %select_n3A_214 : i32
        %select_n3A_225 = arith.select %and3A_223, %add3A_224, %rem3A_215 : i32
        %get3A_226 = arith.index_cast %select_n3A_209 : i32 to index
        %get3A_227 = arith.index_cast %select_n3A_225 : i32 to index
        %get3A_228 = tpu.vector_load %arg5[%get3A_226, %get3A_227] {strides = array<i32>} : memref<16x2048xf32, #tpu.memory_space<vmem>>, vector<16xf32>,
        %bitcast3A_229 = vector.bitcast %get3A_228 : vector<16xf32> to vector<16xi32>
        %shift_right_logical3A_230 = arith.constant 17 : i32
        %shift_right_logical3A_231 = vector.broadcast %shift_right_logical3A_230 : i32 to vector<16xi32>
        %shift_right_logical3A_232 = arith.shrui %bitcast3A_229, %shift_right_logical3A_231 : vector<16xi32>
        tpu.vector_store_idx %arg8[%shift_right_logical3A_232], %broadcast_in_dim3A_3 {add = true} : memref<16384xf32, #tpu.memory_space<vmem>>[vector<16xi32>], vector<16xf32>,
        tpu.vector_store_idx %arg9[%shift_right_logical3A_232], %get3A_228 {add = true} : memref<16384xf32, #tpu.memory_space<vmem>>[vector<16xi32>], vector<16xf32>,
      }
      %scan3A_32 = arith.constant 512 : i32
    }
    %scan3A_16 = arith.constant 8 : i32
    %scan3A_17 = arith.constant 0 : i32
    %scan3A_18 = arith.constant 0 : i32
    %scan3A_19 = arith.constant 1024 : i32
    %scan3A_20 = arith.addi %scan3A_18, %scan3A_19 : i32
    %scan3A_21 = arith.constant 1 : i32
    scf.for %scan3A_23 = %scan3A_18 to %scan3A_20 step %scan3A_21  : i32 {
      %mul3A_24 = arith.constant 16 : i32
      %mul3A_25 = arith.muli %scan3A_23, %mul3A_24 : i32
      %get3A = arith.index_cast %mul3A_25 : i32 to index
      %get3A_26 = tpu.vector_load %arg6[%get3A] {strides = array<i32>} : memref<16384xf32, #tpu.memory_space<vmem>>, vector<16xf32>,
      %get3A_27 = arith.index_cast %mul3A_25 : i32 to index
      %get3A_28 = tpu.vector_load %arg8[%get3A_27] {strides = array<i32>} : memref<16384xf32, #tpu.memory_space<vmem>>, vector<16xf32>,
      %add3A_29 = arith.addf %get3A_26, %get3A_28 : vector<16xf32>
      %swap3A = arith.index_cast %mul3A_25 : i32 to index
      %swap3A_30 = tpu.vector_load %arg6[%swap3A] {strides = array<i32>} : memref<16384xf32, #tpu.memory_space<vmem>>, vector<16xf32>,
      tpu.vector_store %arg6[%swap3A], %add3A_29 {strides = array<i32>} : memref<16384xf32, #tpu.memory_space<vmem>>, vector<16xf32>,
      %get3A_31 = arith.index_cast %mul3A_25 : i32 to index
      %get3A_32 = tpu.vector_load %arg7[%get3A_31] {strides = array<i32>} : memref<16384xf32, #tpu.memory_space<vmem>>, vector<16xf32>,
      %get3A_33 = arith.index_cast %mul3A_25 : i32 to index
      %get3A_34 = tpu.vector_load %arg9[%get3A_33] {strides = array<i32>} : memref<16384xf32, #tpu.memory_space<vmem>>, vector<16xf32>,
      %add3A_35 = arith.addf %get3A_32, %get3A_34 : vector<16xf32>
      %swap3A_36 = arith.index_cast %mul3A_25 : i32 to index
      %swap3A_37 = tpu.vector_load %arg7[%swap3A_36] {strides = array<i32>} : memref<16384xf32, #tpu.memory_space<vmem>>, vector<16xf32>,
      tpu.vector_store %arg7[%swap3A_36], %add3A_35 {strides = array<i32>} : memref<16384xf32, #tpu.memory_space<vmem>>, vector<16xf32>,
    }
    %scan3A_22 = arith.constant 1024 : i32
    "tpu.region"() ({
      %run_scoped3A = tpu.sem_alloc : memref<!tpu.dma_semaphore, #tpu.memory_space<semaphore_mem>>
      %dma_start3A = arith.constant 0 : i32
      %dma_start3A_23 = tpu.memref_slice %arg3[%add3A, %dma_start3A] : memref<32x16384xf32, #tpu.memory_space<hbm>> -> memref<1x16384xf32, #tpu.memory_space<hbm>>
      %dma_start3A_24 = tpu.memref_squeeze %dma_start3A_23 : memref<1x16384xf32, #tpu.memory_space<hbm>> -> memref<16384xf32, #tpu.memory_space<hbm>>
      %dma_start3A_25 = arith.constant 0 : i32
      %dma_start3A_26 = tpu.memref_slice %arg3[%add3A, %dma_start3A_25] : memref<32x16384xf32, #tpu.memory_space<hbm>> -> memref<1x16384xf32, #tpu.memory_space<hbm>>
      %dma_start3A_27 = tpu.memref_squeeze %dma_start3A_26 : memref<1x16384xf32, #tpu.memory_space<hbm>> -> memref<16384xf32, #tpu.memory_space<hbm>>
      tpu.enqueue_dma source(%arg6 : memref<16384xf32, #tpu.memory_space<vmem>>) target(%dma_start3A_27 : memref<16384xf32, #tpu.memory_space<hbm>>) target_semaphore(%run_scoped3A : memref<!tpu.dma_semaphore, #tpu.memory_space<semaphore_mem>>)
      %dma_wait3A = arith.constant 0 : i32
      %dma_wait3A_28 = tpu.memref_slice %arg3[%add3A, %dma_wait3A] : memref<32x16384xf32, #tpu.memory_space<hbm>> -> memref<1x16384xf32, #tpu.memory_space<hbm>>
      %dma_wait3A_29 = tpu.memref_squeeze %dma_wait3A_28 : memref<1x16384xf32, #tpu.memory_space<hbm>> -> memref<16384xf32, #tpu.memory_space<hbm>>
      %dma_wait3A_30 = arith.constant 0 : i32
      %dma_wait3A_31 = tpu.memref_slice %arg3[%add3A, %dma_wait3A_30] : memref<32x16384xf32, #tpu.memory_space<hbm>> -> memref<1x16384xf32, #tpu.memory_space<hbm>>
      %dma_wait3A_32 = tpu.memref_squeeze %dma_wait3A_31 : memref<1x16384xf32, #tpu.memory_space<hbm>> -> memref<16384xf32, #tpu.memory_space<hbm>>
      tpu.wait_dma2 semaphore(%run_scoped3A : memref<!tpu.dma_semaphore, #tpu.memory_space<semaphore_mem>>) src(%arg6 : memref<16384xf32, #tpu.memory_space<vmem>>) dst(%dma_wait3A_32 : memref<16384xf32, #tpu.memory_space<hbm>>)
      tpu.yield
    }) : () -> ()
    "tpu.region"() ({
      %run_scoped3A = tpu.sem_alloc : memref<!tpu.dma_semaphore, #tpu.memory_space<semaphore_mem>>
      %dma_start3A = arith.constant 0 : i32
      %dma_start3A_23 = tpu.memref_slice %arg4[%add3A, %dma_start3A] : memref<32x16384xf32, #tpu.memory_space<hbm>> -> memref<1x16384xf32, #tpu.memory_space<hbm>>
      %dma_start3A_24 = tpu.memref_squeeze %dma_start3A_23 : memref<1x16384xf32, #tpu.memory_space<hbm>> -> memref<16384xf32, #tpu.memory_space<hbm>>
      %dma_start3A_25 = arith.constant 0 : i32
      %dma_start3A_26 = tpu.memref_slice %arg4[%add3A, %dma_start3A_25] : memref<32x16384xf32, #tpu.memory_space<hbm>> -> memref<1x16384xf32, #tpu.memory_space<hbm>>
      %dma_start3A_27 = tpu.memref_squeeze %dma_start3A_26 : memref<1x16384xf32, #tpu.memory_space<hbm>> -> memref<16384xf32, #tpu.memory_space<hbm>>
      tpu.enqueue_dma source(%arg7 : memref<16384xf32, #tpu.memory_space<vmem>>) target(%dma_start3A_27 : memref<16384xf32, #tpu.memory_space<hbm>>) target_semaphore(%run_scoped3A : memref<!tpu.dma_semaphore, #tpu.memory_space<semaphore_mem>>)
      %dma_wait3A = arith.constant 0 : i32
      %dma_wait3A_28 = tpu.memref_slice %arg4[%add3A, %dma_wait3A] : memref<32x16384xf32, #tpu.memory_space<hbm>> -> memref<1x16384xf32, #tpu.memory_space<hbm>>
      %dma_wait3A_29 = tpu.memref_squeeze %dma_wait3A_28 : memref<1x16384xf32, #tpu.memory_space<hbm>> -> memref<16384xf32, #tpu.memory_space<hbm>>
      %dma_wait3A_30 = arith.constant 0 : i32
      %dma_wait3A_31 = tpu.memref_slice %arg4[%add3A, %dma_wait3A_30] : memref<32x16384xf32, #tpu.memory_space<hbm>> -> memref<1x16384xf32, #tpu.memory_space<hbm>>
      %dma_wait3A_32 = tpu.memref_squeeze %dma_wait3A_31 : memref<1x16384xf32, #tpu.memory_space<hbm>> -> memref<16384xf32, #tpu.memory_space<hbm>>
      tpu.wait_dma2 semaphore(%run_scoped3A : memref<!tpu.dma_semaphore, #tpu.memory_space<semaphore_mem>>) src(%arg7 : memref<16384xf32, #tpu.memory_space<vmem>>) dst(%dma_wait3A_32 : memref<16384xf32, #tpu.memory_space<hbm>>)
      tpu.yield
    }) : () -> ()
    return
  }
}

module attributes {stable_mosaic.version = 14 : i64} {
  func.func @_bce_body(%arg0: i32, %arg1: memref<128x2048xf32, #tpu.memory_space<vmem>>, %arg2: memref<128x2048xf32, #tpu.memory_space<vmem>>, %arg3: memref<128x2048xf32, #tpu.memory_space<vmem>>) attributes {dimension_semantics = [#tpu.dimension_semantics<arbitrary>], iteration_bounds = array<i64: 32>, scalar_prefetch = 0 : i64, scratch_operands = 0 : i64, tpu.core_type = #tpu.core_type<tc>, window_params = [{transform_indices = @transform_0, window_bounds = array<i64: 128, 2048>}, {transform_indices = @transform_1, window_bounds = array<i64: 128, 2048>}, {transform_indices = @transform_2, window_bounds = array<i64: 128, 2048>}]} {
    %get3A = arith.constant 0 : index
    %get3A_0 = arith.constant 0 : index
    %get3A_1 = vector.load %arg1[%get3A, %get3A_0] : memref<128x2048xf32, #tpu.memory_space<vmem>>, vector<128x2048xf32>
    %get3A_2 = arith.constant 0 : index
    %get3A_3 = arith.constant 0 : index
    %get3A_4 = vector.load %arg2[%get3A_2, %get3A_3] : memref<128x2048xf32, #tpu.memory_space<vmem>>, vector<128x2048xf32>
    %abs3A = math.absf %get3A_1 : vector<128x2048xf32>
    %neg3A = arith.constant 0.000000e+00 : f32
    %neg3A_5 = vector.broadcast %neg3A : f32 to vector<128x2048xf32>
    %neg3A_6 = arith.subf %neg3A_5, %abs3A : vector<128x2048xf32>
    %exp3A = math.exp %neg3A_6 : vector<128x2048xf32>
    %log1p3A = math.log1p %exp3A : vector<128x2048xf32>
    %max3A = arith.constant 0.000000e+00 : f32
    %max3A_7 = vector.broadcast %max3A : f32 to vector<128x2048xf32>
    %max3A_8 = arith.maximumf %get3A_1, %max3A_7 : vector<128x2048xf32>
    %add3A = arith.addf %log1p3A, %max3A_8 : vector<128x2048xf32>
    %mul3A = arith.constant 1.000000e+02 : f32
    %mul3A_9 = vector.broadcast %mul3A : f32 to vector<128x2048xf32>
    %mul3A_10 = arith.mulf %mul3A_9, %get3A_4 : vector<128x2048xf32>
    %sub3A = arith.subf %add3A, %get3A_1 : vector<128x2048xf32>
    %mul3A_11 = arith.mulf %mul3A_10, %sub3A : vector<128x2048xf32>
    %sub3A_12 = arith.constant 1.000000e+00 : f32
    %sub3A_13 = vector.broadcast %sub3A_12 : f32 to vector<128x2048xf32>
    %sub3A_14 = arith.subf %sub3A_13, %get3A_4 : vector<128x2048xf32>
    %mul3A_15 = arith.mulf %sub3A_14, %add3A : vector<128x2048xf32>
    %add3A_16 = arith.addf %mul3A_11, %mul3A_15 : vector<128x2048xf32>
    %swap3A = arith.constant 0 : index
    %swap3A_17 = arith.constant 0 : index
    %swap3A_18 = vector.load %arg3[%swap3A, %swap3A_17] : memref<128x2048xf32, #tpu.memory_space<vmem>>, vector<128x2048xf32>
    tpu.vector_store %arg3[%swap3A, %swap3A_17], %add3A_16 {strides = array<i32>} : memref<128x2048xf32, #tpu.memory_space<vmem>>, vector<128x2048xf32>,
    return
  }
  func.func @transform_0(%arg0: i32) -> (i32, i32) {
    %c0_i32 = arith.constant 0 : i32
    %c0_i32_0 = arith.constant 0 : i32
    return %arg0, %c0_i32 : i32, i32
  }
  func.func @transform_1(%arg0: i32) -> (i32, i32) {
    %c0_i32 = arith.constant 0 : i32
    %c0_i32_0 = arith.constant 0 : i32
    return %arg0, %c0_i32 : i32, i32
  }
  func.func @transform_2(%arg0: i32) -> (i32, i32) {
    %c0_i32 = arith.constant 0 : i32
    %c0_i32_0 = arith.constant 0 : i32
    return %arg0, %c0_i32 : i32, i32
  }
}

module attributes {stable_mosaic.version = 14 : i64} {
  func.func @_finalize_body(%arg0: memref<32x16384xf32, #tpu.memory_space<vmem>>, %arg1: memref<32x16384xf32, #tpu.memory_space<vmem>>, %arg2: memref<1x1xf32, #tpu.memory_space<smem>>) attributes {dimension_semantics = [], scalar_prefetch = 0 : i64, scratch_operands = 0 : i64, tpu.core_type = #tpu.core_type<tc>} {
    %get3A = arith.constant 0 : index
    %get3A_0 = arith.constant 0 : index
    %get3A_1 = vector.load %arg0[%get3A, %get3A_0] : memref<32x16384xf32, #tpu.memory_space<vmem>>, vector<32x16384xf32>
    %reduce_sum3A = arith.constant dense<0.000000e+00> : vector<16384xf32>
    %reduce_sum3A_2 = vector.multi_reduction <add>, %get3A_1, %reduce_sum3A [0] : vector<32x16384xf32> to vector<16384xf32>
    %broadcast_in_dim3A = vector.shape_cast %reduce_sum3A_2 : vector<16384xf32> to vector<1x16384xf32>
    %get3A_3 = arith.constant 0 : index
    %get3A_4 = arith.constant 0 : index
    %get3A_5 = vector.load %arg1[%get3A_3, %get3A_4] : memref<32x16384xf32, #tpu.memory_space<vmem>>, vector<32x16384xf32>
    %reduce_sum3A_6 = arith.constant dense<0.000000e+00> : vector<16384xf32>
    %reduce_sum3A_7 = vector.multi_reduction <add>, %get3A_5, %reduce_sum3A_6 [0] : vector<32x16384xf32> to vector<16384xf32>
    %broadcast_in_dim3A_8 = vector.shape_cast %reduce_sum3A_7 : vector<16384xf32> to vector<1x16384xf32>
    %iota3A = tpu.iota {dimensions = array<i32: 1>} : vector<1x16384xi32>
    %scan3A = arith.constant 0x4AB33332 : f32
    %scan3A_9 = arith.constant 0 : i32
    %scan3A_10 = arith.constant 0 : i32
    %scan3A_11 = arith.constant 14 : i32
    %scan3A_12 = arith.addi %scan3A_10, %scan3A_11 : i32
    %scan3A_13 = arith.constant 1 : i32
    %scan3A_14 = scf.for %scan3A_68 = %scan3A_10 to %scan3A_12 step %scan3A_13 iter_args(%scan3A_69 = %scan3A_9) -> (i32)  : i32 {
      %sub3A_70 = arith.constant 13 : i32
      %sub3A_71 = arith.subi %sub3A_70, %scan3A_68 : i32
      %shift_left3A_72 = arith.constant 1 : i32
      %shift_left3A_73 = arith.shli %shift_left3A_72, %sub3A_71 : i32
      %or3A = arith.ori %scan3A_69, %shift_left3A_73 : i32
      %ge3A = vector.broadcast %or3A : i32 to vector<1x16384xi32>
      %ge3A_74 = arith.cmpi sge, %iota3A, %ge3A : vector<1x16384xi32>
      %jit3A_75 = arith.constant 0.000000e+00 : f32
      %broadcast_in_dim3A_76 = vector.broadcast %jit3A_75 : f32 to vector<1x16384xf32>
      %select_n3A_77 = arith.select %ge3A_74, %broadcast_in_dim3A, %broadcast_in_dim3A_76 : vector<1x16384xi1>, vector<1x16384xf32>
      %reduce_sum3A_78 = vector.shape_cast %select_n3A_77 : vector<1x16384xf32> to vector<1x1x16384xf32>
      %reduce_sum3A_79 = arith.constant dense<0.000000e+00> : vector<1xf32>
      %reduce_sum3A_80 = vector.multi_reduction <add>, %reduce_sum3A_78, %reduce_sum3A_79 [1, 2] : vector<1x1x16384xf32> to vector<1xf32>
      %reduce_sum3A_81 = vector.shape_cast %reduce_sum3A_80 : vector<1xf32> to vector<1x1x1xf32>
      %reduce_sum3A_82 = vector.extract %reduce_sum3A_81[0, 0, 0] : f32 from vector<1x1x1xf32>
      %ge3A_83 = arith.cmpf oge, %reduce_sum3A_82, %scan3A : f32
      %select_n3A_84 = arith.select %ge3A_83, %or3A, %scan3A_69 : i32
      scf.yield %select_n3A_84 : i32
    }
    %scan3A_15 = arith.constant 14 : i32
    %gt3A = vector.broadcast %scan3A_14 : i32 to vector<1x16384xi32>
    %gt3A_16 = arith.cmpi sgt, %iota3A, %gt3A : vector<1x16384xi32>
    %jit3A = arith.constant 0.000000e+00 : f32
    %broadcast_in_dim3A_17 = vector.broadcast %jit3A : f32 to vector<1x16384xf32>
    %select_n3A = arith.select %gt3A_16, %broadcast_in_dim3A_8, %broadcast_in_dim3A_17 : vector<1x16384xi1>, vector<1x16384xf32>
    %reduce_sum3A_18 = vector.shape_cast %select_n3A : vector<1x16384xf32> to vector<1x1x16384xf32>
    %reduce_sum3A_19 = arith.constant dense<0.000000e+00> : vector<1xf32>
    %reduce_sum3A_20 = vector.multi_reduction <add>, %reduce_sum3A_18, %reduce_sum3A_19 [1, 2] : vector<1x1x16384xf32> to vector<1xf32>
    %reduce_sum3A_21 = vector.shape_cast %reduce_sum3A_20 : vector<1xf32> to vector<1x1x1xf32>
    %reduce_sum3A_22 = vector.extract %reduce_sum3A_21[0, 0, 0] : f32 from vector<1x1x1xf32>
    %jit3A_23 = arith.constant 0.000000e+00 : f32
    %broadcast_in_dim3A_24 = vector.broadcast %jit3A_23 : f32 to vector<1x16384xf32>
    %select_n3A_25 = arith.select %gt3A_16, %broadcast_in_dim3A, %broadcast_in_dim3A_24 : vector<1x16384xi1>, vector<1x16384xf32>
    %reduce_sum3A_26 = vector.shape_cast %select_n3A_25 : vector<1x16384xf32> to vector<1x1x16384xf32>
    %reduce_sum3A_27 = arith.constant dense<0.000000e+00> : vector<1xf32>
    %reduce_sum3A_28 = vector.multi_reduction <add>, %reduce_sum3A_26, %reduce_sum3A_27 [1, 2] : vector<1x1x16384xf32> to vector<1xf32>
    %reduce_sum3A_29 = vector.shape_cast %reduce_sum3A_28 : vector<1xf32> to vector<1x1x1xf32>
    %reduce_sum3A_30 = vector.extract %reduce_sum3A_29[0, 0, 0] : f32 from vector<1x1x1xf32>
    %eq3A = vector.broadcast %scan3A_14 : i32 to vector<1x16384xi32>
    %eq3A_31 = arith.cmpi eq, %iota3A, %eq3A : vector<1x16384xi32>
    %jit3A_32 = arith.constant 0.000000e+00 : f32
    %broadcast_in_dim3A_33 = vector.broadcast %jit3A_32 : f32 to vector<1x16384xf32>
    %select_n3A_34 = arith.select %eq3A_31, %broadcast_in_dim3A, %broadcast_in_dim3A_33 : vector<1x16384xi1>, vector<1x16384xf32>
    %reduce_sum3A_35 = vector.shape_cast %select_n3A_34 : vector<1x16384xf32> to vector<1x1x16384xf32>
    %reduce_sum3A_36 = arith.constant dense<0.000000e+00> : vector<1xf32>
    %reduce_sum3A_37 = vector.multi_reduction <add>, %reduce_sum3A_35, %reduce_sum3A_36 [1, 2] : vector<1x1x16384xf32> to vector<1xf32>
    %reduce_sum3A_38 = vector.shape_cast %reduce_sum3A_37 : vector<1xf32> to vector<1x1x1xf32>
    %reduce_sum3A_39 = vector.extract %reduce_sum3A_38[0, 0, 0] : f32 from vector<1x1x1xf32>
    %jit3A_40 = arith.constant 0.000000e+00 : f32
    %broadcast_in_dim3A_41 = vector.broadcast %jit3A_40 : f32 to vector<1x16384xf32>
    %select_n3A_42 = arith.select %eq3A_31, %broadcast_in_dim3A_8, %broadcast_in_dim3A_41 : vector<1x16384xi1>, vector<1x16384xf32>
    %reduce_sum3A_43 = vector.shape_cast %select_n3A_42 : vector<1x16384xf32> to vector<1x1x16384xf32>
    %reduce_sum3A_44 = arith.constant dense<0.000000e+00> : vector<1xf32>
    %reduce_sum3A_45 = vector.multi_reduction <add>, %reduce_sum3A_43, %reduce_sum3A_44 [1, 2] : vector<1x1x16384xf32> to vector<1xf32>
    %reduce_sum3A_46 = vector.shape_cast %reduce_sum3A_45 : vector<1xf32> to vector<1x1x1xf32>
    %reduce_sum3A_47 = vector.extract %reduce_sum3A_46[0, 0, 0] : f32 from vector<1x1x1xf32>
    %shift_left3A = arith.constant 17 : i32
    %shift_left3A_48 = arith.shli %scan3A_14, %shift_left3A : i32
    %bitcast_convert_type3A = arith.bitcast %shift_left3A_48 : i32 to f32
    %add3A = arith.constant 1 : i32
    %add3A_49 = arith.addi %scan3A_14, %add3A : i32
    %shift_left3A_50 = arith.constant 17 : i32
    %shift_left3A_51 = arith.shli %add3A_49, %shift_left3A_50 : i32
    %bitcast_convert_type3A_52 = arith.bitcast %shift_left3A_51 : i32 to f32
    %sub3A = arith.constant 0x4AB33332 : f32
    %sub3A_53 = arith.subf %sub3A, %reduce_sum3A_30 : f32
    %max3A = arith.constant 1.000000e+00 : f32
    %max3A_54 = arith.maximumf %reduce_sum3A_39, %max3A : f32
    %div3A = arith.divf %reduce_sum3A_47, %max3A_54 : f32
    %sub3A_55 = arith.subf %reduce_sum3A_39, %sub3A_53 : f32
    %sub3A_56 = arith.subf %bitcast_convert_type3A_52, %bitcast_convert_type3A : f32
    %mul3A = arith.mulf %sub3A_55, %sub3A_56 : f32
    %mul3A_57 = arith.constant 2.000000e+00 : f32
    %mul3A_58 = arith.mulf %mul3A_57, %max3A_54 : f32
    %div3A_59 = arith.divf %mul3A, %mul3A_58 : f32
    %add3A_60 = arith.addf %div3A, %div3A_59 : f32
    %max3A_61 = arith.maximumf %bitcast_convert_type3A, %add3A_60 : f32
    %min3A = arith.minimumf %bitcast_convert_type3A_52, %max3A_61 : f32
    %mul3A_62 = arith.mulf %sub3A_53, %min3A : f32
    %add3A_63 = arith.addf %reduce_sum3A_22, %mul3A_62 : f32
    %div3A_64 = arith.constant 0x4AB33332 : f32
    %div3A_65 = arith.divf %add3A_63, %div3A_64 : f32
    %swap3A = arith.constant 0 : index
    %swap3A_66 = arith.constant 0 : index
    %swap3A_67 = memref.load %arg2[%swap3A, %swap3A_66] : memref<1x1xf32, #tpu.memory_space<smem>>
    memref.store %div3A_65, %arg2[%swap3A, %swap3A_66] : memref<1x1xf32, #tpu.memory_space<smem>>
    return
  }
}

</mosaic_0001>

<sc_bundles>
// kernel: kernel.5.cloned.1.call-start
scs
__scs_entry_jumppad:
0x0: {  	(pc) =	sbr.rel $0x88, $3  }
0x1: {  	(tag) =	ssettag $0x0;
	lr =	simm.s32 $0x1  }
0x2: {  	[smem:$0x3F9F] =	sst lr;
	_ =	strace $0xD0000000  }
0x3: {  	_ = 	snop  }
0x4: {  	_ = 	snop  }
0x5: {  	_ = 	snop  }
0x6: {  	_ = 	snop  }
0x7: {  	_ = 	snop  }
__scs_overlays_trampoline_lowered:
0x8: {  	[smem:$0x3FAE] =	sst s0  }
0x9: {  	[smem:$0x3FAF] =	sst s1  }
0xa: {  	[smem:$0x3FB0] =	sst s2  }
0xb: {  	[smem:$0x3FB1] =	sst s3  }
0xc: {  	[smem:$0x3FB2] =	sst s4  }
0xd: {  	[smem:$0x3FB3] =	sst s5  }
0xe: {  	[smem:$0x3FB4] =	sst s6  }
0xf: {  	[smem:$0x3FB5] =	sst s7  }
0x10: {  	[smem:$0x3FB6] =	sst s8  }
0x11: {  	[smem:$0x3FB7] =	sst s9;
	s0 =	simm.s32 @!p0 $0x0  }
0x12: {  	s1 =	sld [smem:$0x3F9D];
	s0 =	simm.s32 @p0 $0x1  }
0x13: {  	[smem:$0x3FB8] =	sst s0;
	s0 =	simm.s32 @!p1 $0x0  }
0x14: {  	s2 =	sld [smem:$0x3F9C];
	s0 =	simm.s32 @p1 $0x1  }
0x15: {  	[smem:$0x3FB9] =	sst s0;
	s0 =	simm.s32 @!p2 $0x0  }
0x16: {  	s3 =	sld [smem:$0x3FDB];
	s0 =	simm.s32 @p2 $0x1  }
0x17: {  	s4 =	simm.s32 $0x1BF5;
	[smem:$0x3FBB] =	sst s0  }
0x18: {  	s0 =	sld [smem:$0x3F9E];
	_ =	swait.ge [sflag:s4], $0x0  }
0x19: {  	s7 =	sld [smem:$0x3F9F]  }
0x1a: {  	s8 =	sadd.s32 $0xFFFFE003, lr  }
0x1b: {  	s9 =	sadd.s32 $0xFFFFFEF7, lr;
	s5 =	simm.s32 $0xFFFFFFFF;
	p2 =	slt.u32 s8, $0xFFFFF086  }
0x1c: {  	p1 =	slt.u32 s9, $0xF7A;
	s5 =	simm.s32 @!p2 $0x0  }
0x1d: {  	s5 =	simm.s32 @p1 $0x1;
	p0 =	seq.s32 s7, s2  }
0x1e: {  	s7 =	smul.u32 @!p0 $0xF7A, s2;
	p2 =	seq.s32 @!p0 s5, $0x0  }
0x1f: {  	s9 =	smul.u32 $0xF7A, s1;
	s8 =	simm.s32 @!p0 $0x1BF5;
	p2 =	por !p2, p0  }
0x20: {  	[sflag:s8] =	ssyncset.s32 @!p0 $0xFFFFF086;
	s6 =	sadd.s32 @!p0 s3, s7;
	s7 =	simm.s32 @!p0 $0x108  }
0x21: {  	s3 =	sadd.s32 s3, s9;
	s6 =	sadd.s32 @!p0 $0x88, s6;
	s7 =	simm.s32 @p2 $0x1082  }
0x22: {  	[simem:s7], [sflag:s8] =	dma.local @!p0 [hbm:s6], $0xF7A  }
0x23: {  	s9 =	sor.u32 $0xD0000000, s2;
	s6 =	simm.s32 $0x108;
	_ =	swait.ge @!p0 [sflag:s8], $0x0  }
0x24: {  	s3 =	sadd.s32 $0x88, s3;
	s6 =	simm.s32 @!p1 $0x1082;
	[sflag:s4] =	ssyncset.s32 $0xFFFFF086  }
0x25: {  	[simem:s6], [sflag:s4] =	dma.local [hbm:s3], $0xF7A  }
0x26: {  	[smem:$0x3F9F] =	sst s1;
	(tag) =	ssettag s2;
	_ =	strace s9  }
0x27: {  	s1 =	sld [smem:$0x3FAF]  }
0x28: {  	s2 =	sld [smem:$0x3FB0]  }
0x29: {  	s4 =	sld [smem:$0x3FB2]  }
0x2a: {  	p0 =	seq.s32 s5, $0x0;
	s5 =	sld [smem:$0x3FB3]  }
0x2b: {  	s6 =	sld [smem:$0x3FB4]  }
0x2c: {  	s7 =	sld [smem:$0x3FB5]  }
0x2d: {  	s3 =	simm.s32 $0x108;
	s8 =	sld [smem:$0x3FB6]  }
0x2e: {  	s3 =	simm.s32 @!p0 $0x1082;
	s9 =	sld [smem:$0x3FB7]  }
0x2f: {  	lr =	sadd.s32 s0, s3;
	s0 =	sld [smem:$0x3FAE]  }
0x30: {  	s3 =	sld [smem:$0x3FB1]  }
0x31: {  	[smem:$0x3FBA] =	sst s10  }
0x32: {  	s10 =	sld [smem:$0x3FB8];
	_ =	sdelay $0x3  }
0x33: {  	p0 =	seq.s32 s10, $0x1;
	s10 =	sld [smem:$0x3FBA];
	_ =	sdelay $0x3  }
0x34: {  	[smem:$0x3FBA] =	sst s10  }
0x35: {  	s10 =	sld [smem:$0x3FB9];
	_ =	sdelay $0x3  }
0x36: {  	p1 =	seq.s32 s10, $0x1;
	s10 =	sld [smem:$0x3FBA];
	_ =	sdelay $0x3  }
0x37: {  	[smem:$0x3FBA] =	sst s10  }
0x38: {  	s10 =	sld [smem:$0x3FBB]  }
0x39: {  	_ = 	snop;
	(pc) =	sbr.ind lr, $3  }
0x3a: {  	_ = 	snop  }
0x3b: {  	_ = 	snop  }
0x3c: {  	p2 =	seq.s32 s10, $0x1;
	s10 =	sld [smem:$0x3FBA]  }
0x3d: {  	_ =	shalt  }
0x3e: {  	_ =	shalt  }
0x3f: {  	_ =	shalt  }
0x40: {  	_ =	shalt  }
0x41: {  	_ =	shalt  }
0x42: {  	_ =	shalt  }
0x43: {  	_ =	shalt  }
0x44: {  	_ =	shalt  }
0x45: {  	_ =	shalt  }
0x46: {  	_ =	shalt  }
0x47: {  	_ =	shalt  }
0x48: {  	_ =	shalt  }
0x49: {  	_ =	shalt  }
0x4a: {  	_ =	shalt  }
0x4b: {  	_ =	shalt  }
0x4c: {  	_ =	shalt  }
0x4d: {  	_ =	shalt  }
0x4e: {  	_ =	shalt  }
0x4f: {  	_ =	shalt  }
0x50: {  	_ =	shalt  }
0x51: {  	_ =	shalt  }
0x52: {  	_ =	shalt  }
0x53: {  	_ =	shalt  }
0x54: {  	_ =	shalt  }
0x55: {  	_ =	shalt  }
0x56: {  	_ =	shalt  }
0x57: {  	_ =	shalt  }
0x58: {  	_ =	shalt  }
0x59: {  	_ =	shalt  }
0x5a: {  	_ =	shalt  }
0x5b: {  	_ =	shalt  }
0x5c: {  	_ =	shalt  }
0x5d: {  	_ =	shalt  }
0x5e: {  	_ =	shalt  }
0x5f: {  	_ =	shalt  }
0x60: {  	_ =	shalt  }
0x61: {  	_ =	shalt  }
0x62: {  	_ =	shalt  }
0x63: {  	_ =	shalt  }
0x64: {  	_ =	shalt  }
0x65: {  	_ =	shalt  }
0x66: {  	_ =	shalt  }
0x67: {  	_ =	shalt  }
0x68: {  	_ =	shalt  }
0x69: {  	_ =	shalt  }
0x6a: {  	_ =	shalt  }
0x6b: {  	_ =	shalt  }
0x6c: {  	_ =	shalt  }
0x6d: {  	_ =	shalt  }
0x6e: {  	_ =	shalt  }
0x6f: {  	_ =	shalt  }
0x70: {  	_ =	shalt  }
0x71: {  	_ =	shalt  }
0x72: {  	_ =	shalt  }
0x73: {  	_ =	shalt  }
0x74: {  	_ =	shalt  }
0x75: {  	_ =	shalt  }
0x76: {  	_ =	shalt  }
0x77: {  	_ =	shalt  }
0x78: {  	_ =	shalt  }
0x79: {  	_ =	shalt  }
0x7a: {  	_ =	shalt  }
0x7b: {  	_ =	shalt  }
0x7c: {  	_ =	shalt  }
0x7d: {  	_ =	shalt  }
0x7e: {  	_ =	shalt  }
0x7f: {  	_ =	shalt  }
0x80: {  	_ =	shalt  }
0x81: {  	_ =	shalt  }
0x82: {  	_ =	shalt  }
0x83: {  	_ =	shalt  }
0x84: {  	_ =	shalt  }
0x85: {  	_ =	shalt  }
0x86: {  	_ =	shalt  }
0x87: {  	_ =	shalt  }
.Lfunc_end0:
.L_simem_size_0:
called_computation_lowered:
.L_overlay_start_0:
0x88: {  	s2 =	sld [smem:$0x3FD9]  }
0x89: {  	s3 =	sld [smem:$0x3FFE];
	_ =	sdelay $0x1  }
0x8a: {  	s1 =	srdreg.scid  }
0x8b: {  	s0 =	sand.u32 $0x1, s1  }
0x8c: {  	s16 =	sshll.u32 s0, $0xA;
	s2 =	sadd.s32 s3, s2  }
0x8d: {  	s2 =	sadd.s32 s2, s16  }
0x8e: {  	[smem:$0x3FC6] =	sst s2  }
0x8f: {  	_ = 	snop  }
0x90: {  	(tm) =	ssettm $0x1  }
0x91: {  	s17 =	sld [smem:$0x3FFB];
	_ =	sdelay $0x3  }
0x92: {  	_ =	strace s17  }
0x93: {  	s2 =	sld [smem:$0x3FFC];
	_ =	sdelay $0x3  }
0x94: {  	_ =	strace s2  }
0x95: {  	s2 =	sld [smem:$0x3FFD];
	_ =	sdelay $0x3  }
0x96: {  	_ =	strace s2  }
0x97: {  	_ =	strace $0x8FFFFFFF  }
0x98: {  	s18 =	sld [smem:$0x3FDB];
	_ =	sdelay $0x1  }
0x99: {  	s19 =	simm.s32 $_scs_section_size  }
0x9a: {  	s4 =	simm.s32 $_size__tile_overlayer_lowered;
	s5 =	simm.s32 $_tile_overlayer_lowered  }
0x9b: {  	s22 =	simm.s32 $0x1BFF;
	s21 =	sshll.u32 s5, $0x1;
	s2 =	sadd.s32 s19, s18  }
0x9c: {  	s6 =	simm.s32 $0x0;
	s20 =	sshll.u32 s4, $0x1;
	s4 =	sadd.s32 s21, s2  }
0x9d: {  	[timem:s6], [sflag:s22] =	dma.local [hbm:s4], s20  }
0x9e: {  	_ =	swait.ge [sflag:s22], s20  }
0x9f: {  	s3 =	ssub.s32 $0x0, s20;
	[sflag:s22] =	ssyncset.done $0x0  }
0xa0: {  	[sflag:s22] =	ssyncadd.s32 s3;
	_ =	sdelay $0x1  }
0xa1: {  	s23 =	simm.s32 $0x1B8B  }
0xa2: {  	_ =	swait.ge [sflag:s23], $0x1  }
0xa3: {  	[sflag:s23] =	ssyncset.done $0x0  }
0xa4: {  	s25 =	simm.s32 $0x1B8E;
	s24 =	sld [smem:$0x3FFE];
	[sflag:s23] =	ssyncadd.s32 $0xFFFFFFFF  }
0xa5: {  	s26 =	simm.s32 $execute0_lowered;
	[smem:$0x3FD2] =	sst s25  }
0xa6: {  	s4 =	sshll.u32 s26, $0x1;
	_ =	strace $0x80000046;
	[dreg:$0x1] =	wrdreg $0xFFFFFFFF  }
0xa7: {  	s28 =	simm.s32 $_size_execute0_lowered;
	s2 =	sadd.s32 s2, s4;
	[dreg:$0x0] =	wrdreg $0x0  }
0xa8: {  	s4 =	sshll.u32 s28, $0x1;
	[dreg:$0x2] =	wrdreg s2  }
0xa9: {  	[dreg:$0x3] =	wrdreg s4  }
0xaa: {  	[dreg:$0x4] =	wrdreg $0xC0  }
0xab: {  	_ =	task [dreg:s6], $0x5FFFF  }
0xac: {  	[dreg:$0x1] =	wrdreg $0xFFFFFFFF  }
0xad: {  	[dreg:$0x0] =	wrdreg $0x60  }
0xae: {  	[dreg:$0x2] =	wrdreg s24  }
0xaf: {  	[dreg:$0x3] =	wrdreg $0x9  }
0xb0: {  	_ =	task.clear_ibuf [dreg:s6], $0x4FFFF;
	_ =	strace $0x90000046  }
0xb1: {  	s29 =	simm.s32 $0x9;
	_ =	strace $0x80000048  }
0xb2: {  	_ =	swait.ge [sflag:s29], $0x1  }
0xb3: {  	[sflag:s29] =	ssyncadd.s32 $0xFFFFFFFF  }
0xb4: {  	_ =	strace $0x90000048  }
0xb5: {  	_ =	sfence  }
0xb6: {  	s30 =	sld [smem:$0x0];
	_ =	sdelay $0x2  }
0xb7: {  	s31 =	sshll.u32 s1, $0xD;
	s1 =	sshrl.u32 s1, $0x2  }
0xb8: {  	s3 =	sand.u32 $0x4000, s31;
	s1 =	sadd.s32 s1, s30  }
0xb9: {  	s0 =	sor.u32 s3, s0;
	s1 =	sshll.u32 s1, $0x11  }
0xba: {  	s0 =	sor.u32 s1, s0  }
0xbb: {  	s0 =	sadd.s32 $0x8F2B, s0  }
0xbc: {  	[sflag:s0] =	ssyncadd.remote.s32 $0x1  }
0xbd: {  	_ =	sfence.sel $0xFFFF  }
0xbe: {  	[dreg:$0x0] =	wrdreg $0xFFFFFFFF;
	(pc) =	sbr.abs _section_cstart, $3  }
0xbf: {  	[dreg:$0x1] =	wrdreg $0xFFFFFFFF  }
0xc0: {  	_ =	task.clear_ibuf [dreg:s6], $0x2FFFF;
	_ =	strace $0x9FFFFFFF  }
0xc1: {  	(tm) =	ssettm $0x7FFFFFFF  }
tec
execute0_lowered:
.L_overlay_start_1:
0x0: {  	(tag) =	ssettag $0x1  }
0x1: {  	s1 =	srdreg.scid  }
0x2: {  	s0 =	stileid.u32;
	s3 =	rddreg [dreg:$0x0];
	s2 =	simm.s32 $0x0  }
0x3: {  	s8 =	simm.s32 $0x8000;
	s9 =	simm.s32 $0xC000;
	s10 =	simm.s32 $0x10000  }
0x4: {  	s11 =	simm.s32 $0x14000;
	s12 =	simm.s32 $0x80;
	s13 =	simm.s32 $0x400  }
0x5: {  	s4 =	sand.u32 $0x1, s1;
	s5 =	sshll.u32 s0, $0x1;
	s1 =	rddreg [dreg:$0x1]  }
0x6: {  	[smem:$0x7FF] =	sst s2;
	s6 =	sshll.u32 s0, $0xC;
	s5 =	sor.u32 s4, s5  }
0x7: {  	_ =	strace $0x80000047;
	s4 =	ssub.s32 $0x2, s4;
	s7 =	sshll.u32 s5, $0x4  }
0x8: {  	s5 =	sshll.u32 s5, $0xF;
	s30 =	sshrl.u32 s4, $0x1;
	s6 =	sor.u32 s6, s7  }
0x9: {  	s5 =	sadd.s32 s5, s3;
	s31 =	ssub.s32 s4, s30;
	s6 =	sand.u32 $0xC070, s6  }
0xa: {  	s7 =	simm.s32 $0x1;
	s6 =	sadd.s32 s6, s3;
	s3 =	sadd.s32 $0xC00, s5  }
0xb: {  	v0 =	vimm.f32 $0.0e+00;
	v1 =	vimm.f32 $1.000000000e+00;
	s4 =	sadd.s32 $0x100C00, s6;
	s5 =	sadd.s32 $0x110C00, s6;
	s6 =	smax.u32 s31, $0x1  }
.LBB2_1:
0xc: {  	s14 =	simm.s32 $0x40;
	s15 =	simm.s32 $0x0  }
.LBB2_2:
0xd: {  	p0 =	sne.s32 s14, $0xFFC0;
	[tilespmem:s15+$0x14000] =	vst v0;
	s16 =	smov.u32 s14;
	s14 =	sadd.s32 $0x40, s14  }
.Ltmp0:
0xe: {  	[tilespmem:s15+$0x10000] =	vst v0;
	(pc) =	sbr.rel @p0 .LBB2_2-.Ltmp0, $3  }
0xf: {  	[tilespmem:s15+$0x8000] =	vst v0  }
0x10: {  	[tilespmem:s15+$0xC000] =	vst v0;
	_ =	sdelay $0x1  }
0x11: {  	s15 =	sshra.s32 s16, $0x2  }
0x12: {  	[tilespmem:s15+$0x14000] =	vst v0  }
0x13: {  	[tilespmem:s15+$0x10000] =	vst v0  }
0x14: {  	[tilespmem:s15+$0x8000] =	vst v0  }
0x15: {  	s14 =	simm.s32 $0x0;
	[tilespmem:s15+$0xC000] =	vst v0;
	s15 =	simm.s32 $0x0  }
.LBB2_4:
0x16: {  	s16 =	sshll.u32 s15, $0xC  }
0x17: {  	s16 =	sadd.s32 s16, s3  }
0x18: {  	[tilespmem:s14], [sflag:$0x1] =	stream.linear.gather [hbm4b:s16+s14], $0x8000, $0x38;
	[tilespmem:$0x18000] =	vst v63  }
0x19: {  	_ =	swait.ge [sflag:s7], $0x8000  }
0x1a: {  	s17 =	simm.s32 $0x0;
	[sflag:s7] =	ssyncset.done $0x0  }
0x1b: {  	s18 =	simm.s32 $0x0;
	s16 =	simm.s32 $0x0;
	[sflag:s7] =	ssyncadd.s32 $0xFFFF8000  }
.LBB2_5:
0x1c: {  	s19 =	sshll.u32 s18, $0x6  }
0x1d: {  	s20 =	sand.u32 $0x3C00, s16;
	s21 =	sshll.u32 s18, $0x2;
	s19 =	sand.u32 $0x4000, s19  }
0x1e: {  	s21 =	sand.u32 $0x380, s21;
	s19 =	sor.u32 s20, s19  }
0x1f: {  	s31 =	sand.u32 $0x40, s17;
	s19 =	sor.u32 s21, s19  }
0x20: {  	s19 =	sor.u32 s31, s19  }
0x21: {  	v2 =	vld [tilespmem:s19+$0x0];
	_ =	sdelay $0x4  }
0x22: {  	v3 =	vshrl.u32 v2, $0x11;
	_ =	sdelay $0x4  }
0x23: {  	[tilespmem:v3+s8+$0x0] =	vst.idx.add.f32.msk $0xffff, v1  }
0x24: {  	[tilespmem:v3+s9+$0x0] =	vst.idx.add.f32.msk $0xffff, v2  }
0x25: {  	v2 =	vld [tilespmem:s19+$0x10];
	_ =	sdelay $0x4  }
0x26: {  	v3 =	vshrl.u32 v2, $0x11;
	_ =	sdelay $0x4  }
0x27: {  	[tilespmem:v3+s10+$0x0] =	vst.idx.add.f32.msk $0xffff, v1  }
0x28: {  	[tilespmem:v3+s11+$0x0] =	vst.idx.add.f32.msk $0xffff, v2  }
0x29: {  	v2 =	vld [tilespmem:s19+$0x20];
	_ =	sdelay $0x4  }
0x2a: {  	v3 =	vshrl.u32 v2, $0x11;
	_ =	sdelay $0x4  }
0x2b: {  	[tilespmem:v3+s8+$0x0] =	vst.idx.add.f32.msk $0xffff, v1  }
0x2c: {  	[tilespmem:v3+s9+$0x0] =	vst.idx.add.f32.msk $0xffff, v2  }
0x2d: {  	v2 =	vld [tilespmem:s19+$0x30];
	_ =	sdelay $0x4  }
0x2e: {  	v3 =	vshrl.u32 v2, $0x11  }
0x2f: {  	p0 =	sne.s32 s18, $0x1FF  }
.Ltmp1:
0x30: {  	_ = 	snop;
	(pc) =	sbr.rel @p0 .LBB2_5-.Ltmp1, $3  }
0x31: {  	_ =	sdelay $0x1  }
0x32: {  	[tilespmem:v3+s10+$0x0] =	vst.idx.add.f32.msk $0xffff, v1  }
0x33: {  	s17 =	sadd.s32 $0x40, s17;
	s16 =	sadd.s32 $0x200, s16;
	s18 =	sadd.s32 $0x1, s18;
	[tilespmem:v3+s11+$0x0] =	vst.idx.add.f32.msk $0xffff, v2  }
0x34: {  	s15 =	sadd.s32 $0x1, s15  }
0x35: {  	p0 =	sne.s32 s15, $0x8  }
.Ltmp2:
0x36: {  	_ = 	snop;
	(pc) =	sbr.rel @p0 .LBB2_4-.Ltmp2, $1  }
0x37: {  	_ =	sdelay $0x3  }
0x38: {  	s14 =	simm.s32 $0x0  }
0x39: {  	v2 =	vld [tilespmem:s14+$0x10000]  }
0x3a: {  	v3 =	vld [tilespmem:s14+$0x14000]  }
0x3b: {  	s15 =	simm.s32 $0x40;
	v4 =	vld [tilespmem:s14+$0x8000]  }
.LBB2_8:
0x3c: {  	p0 =	sne.s32 s15, $0xFFC0;
	v5 =	vld [tilespmem:s14+$0xC000];
	_ =	sdelay $0x2  }
.Ltmp3:
0x3d: {  	(pc) =	sbr.rel @p0 .LBB2_8-.Ltmp3, $4  }
0x3e: {  	s16 =	sshra.s32 s15, $0x2;
	v4 =	vadd.f32 v2, v4  }
0x3f: {  	v2 =	vld [tilespmem:s16+$0x10000];
	v5 =	vadd.f32 v3, v5  }
0x40: {  	v3 =	vld [tilespmem:s16+$0x14000];
	[tilespmem:s14+$0x8000] =	vst v4  }
0x41: {  	s15 =	sadd.s32 $0x40, s15;
	v4 =	vld [tilespmem:s16+$0x8000];
	[tilespmem:s14+$0xC000] =	vst v5;
	s14 =	smov.u32 s16  }
0x42: {  	v5 =	vld [tilespmem:s14+$0xC000];
	_ =	sdelay $0x3  }
0x43: {  	v2 =	vadd.f32 v2, v4  }
0x44: {  	v3 =	vadd.f32 v3, v5  }
0x45: {  	[tilespmem:s14+$0x8000] =	vst v2  }
0x46: {  	[tilespmem:s14+$0xC000] =	vst v3  }
0x47: {  	[hbm4b:s4+s12] =	stream.strided.scatter [tilespmem:s8], [sflag:$0x1], $0x4000, s13, s12, $0x38;
	[tilespmem:$0x18000] =	vst v63  }
0x48: {  	s2 =	sadd.s32 $0x1, s2;
	_ =	swait.ge [sflag:s7], $0x4000  }
0x49: {  	p0 =	sne.s32 s2, s6;
	[sflag:s7] =	ssyncset.done $0x0  }
.Ltmp4:
0x4a: {  	[sflag:s7] =	ssyncadd.s32 $0xFFFFC000;
	(pc) =	sbr.rel @p0 .LBB2_1-.Ltmp4, $4  }
0x4b: {  	[hbm4b:s5+s12] =	stream.strided.scatter [tilespmem:s9], [sflag:$0x1], $0x4000, s13, s12, $0x38;
	[tilespmem:$0x18000] =	vst v63  }
0x4c: {  	_ =	swait.ge [sflag:s7], $0x4000  }
0x4d: {  	[sflag:s7] =	ssyncset.done $0x0  }
0x4e: {  	[sflag:s7] =	ssyncadd.s32 $0xFFFFC000  }
0x4f: {  	_ =	sfence.sel $0x180000  }
0x50: {  	[bflag:$0x0] =	sbarrier.arrive $0xFFFF  }
0x51: {  	p0 =	sne.s32 s0, $0x0;
	_ =	strace $0x90000047  }
0x52: {  	s0 =	sadd.s32 @!p0 $0x100000, s1;
	[bflag:$0x2] =	sbarrier.arrive $0xFFFF  }
0x53: {  	[sflag:s0] =	ssyncadd.tile.s32 @!p0 $0x1;
	_ =	shalt  }
.Lfunc_end2:
_tile_overlayer_lowered:
.L_overlay_start_2:
0x54: {  	(tag) =	ssettag $0x2  }
0x55: {  	s0 =	rddreg [dreg:$0x0];
	s2 =	stileid.u32  }
0x56: {  	s1 =	rddreg [dreg:$0x1];
	p0 =	sne.s32 s2, $0x0  }
0x57: {  	s3 =	rddreg [dreg:$0x2];
	[bflag:$0x3] =	sbarrier.arrive $0xFFFF;
	s2 =	simm.s32 @!p0 $0x1C01  }
0x58: {  	[timem:s3], [sflag:s2] =	dma.local @!p0 [hbm:s0], s1  }
0x59: {  	s0 =	simm.s32 @!p0 $0x1  }
0x5a: {  	_ =	swait.ge @!p0 [sflag:s0], s1  }
0x5b: {  	s1 =	ssub.s32 @!p0 $0x0, s1;
	[sflag:s0] =	ssyncset.done @!p0 $0x0  }
0x5c: {  	[sflag:s0] =	ssyncadd.s32 @!p0 s1  }
0x5d: {  	[bflag:$0x3] =	sbarrier.arrive $0xFFFF  }
0x5e: {  	_ =	shalt  }

</sc_bundles>
